<compile_context>
chip_gen: v7x
topology: tpu7x:2x2x1
jax: 0.10.2.dev20260603
libtpu: 0.0.44.dev20260713+nightly
codegen_flags: <defaults>
</compile_context>

<pallas_src>
import jax
import jax.numpy as jnp
from jax import lax
from jax.experimental import pallas as pl
from jax.experimental.pallas import tpu as pltpu
from jax.experimental.pallas import tpu_sc as plsc

B = 16384
F = 26
CARD = 100000
NC = 2
NS = 16
NW = NC * NS
B_PER_W = B // NW
N_PER_W = B_PER_W * F
L = 16
GROUPS = B_PER_W // L


def _body(xt_hbm, tbl_hbm, bias_hbm, out_hbm, x_v, idx_v, vals_v, out_v,
          bias_v, sem):
    wid = lax.axis_index("c") * NS + lax.axis_index("s")
    sbase = wid * B_PER_W

    pltpu.sync_copy(xt_hbm.at[:, pl.ds(sbase, B_PER_W)], x_v)
    pltpu.sync_copy(bias_hbm, bias_v)

    def build(j, _):
        f = j >> 5
        r = j & (GROUPS - 1)
        idx_v[pl.ds(j * L, L)] = x_v[f, pl.ds(r * L, L)] + f * CARD
        return 0

    lax.fori_loop(0, F * GROUPS, build, 0)

    pltpu.async_copy(tbl_hbm.at[idx_v], vals_v, sem).wait()

    bias16 = bias_v[...]

    def reduce(s, _):
        acc = bias16
        for f in range(F):
            acc = acc + vals_v[pl.ds(f * B_PER_W + s * L, L)]
        out_v[pl.ds(s * L, L)] = acc
        return 0

    lax.fori_loop(0, GROUPS, reduce, 0)

    pltpu.sync_copy(out_v, out_hbm.at[pl.ds(sbase, B_PER_W)])


@jax.jit
def _run(xt, tbl_flat, bias16):
    mesh = plsc.VectorSubcoreMesh(core_axis_name="c", subcore_axis_name="s")
    return pl.kernel(
        _body,
        out_type=jax.ShapeDtypeStruct((B,), jnp.float32),
        mesh=mesh,
        scratch_types=[
            pltpu.VMEM((F, B_PER_W), jnp.int32),
            pltpu.VMEM((N_PER_W,), jnp.int32),
            pltpu.VMEM((N_PER_W,), jnp.float32),
            pltpu.VMEM((B_PER_W,), jnp.float32),
            pltpu.VMEM((L,), jnp.float32),
            pltpu.SemaphoreType.DMA,
        ],
    )(xt, tbl_flat, bias16)


def kernel(x, table, bias):
    xt = x.astype(jnp.int32).T
    tbl_flat = jnp.concatenate([table[:1300000, 0], table[1300000:, 0]])
    bias16 = jnp.broadcast_to(bias.astype(jnp.float32), (L,))
    out = _run(xt, tbl_flat, bias16)
    return out.reshape(B, 1)

# --- scband reference (transcript-rebuilt; emitter-appended) ---
"""Pipeline reference for scband-linear-model-41738492182859 (READ-ONLY COPY).

The authoritative reference and input builder live on the scoring server;
editing this copy changes nothing except your own understanding.
"""

import jax, jax.numpy as jnp
import numpy as np

FEATURE_CARDS = [100000] * 26
BATCH = 16384


def setup_inputs(seed: int = 0) -> dict:
    key = jax.random.key(seed)
    k1, k2, k3 = jax.random.split(key, 3)
    x = jax.random.randint(k1, (BATCH, len(FEATURE_CARDS)), 0, 100000)
    total_rows = int(sum(FEATURE_CARDS))
    # keras Embedding default init: uniform(-0.05, 0.05)
    table = jax.random.uniform(k2, (total_rows, 1), minval=-0.05, maxval=0.05, dtype=jnp.float32)
    bias = jax.random.uniform(k3, (1,), dtype=jnp.float32)
    return {"x": x, "table": table, "bias": bias}


def reference(x, table, bias):
    offsets = jnp.asarray(np.concatenate(([0], np.cumsum(FEATURE_CARDS)[:-1])), dtype=x.dtype)
    idx = x + offsets  # [B, F], global row ids into the concatenated table
    emb = jnp.take(table, idx, axis=0)  # [B, F, 1] gather (embedding lookup)
    out = bias + jnp.sum(emb, axis=1)   # [B, 1]
    return out

if __name__ == "__main__":
    import jax
    _d = setup_inputs()
    print(jax.jit(kernel)(*tuple(_d.values())))

</pallas_src>

<mosaic_0001>
#map = affine_map<(d0, d1) -> (0, 0)>
#map1 = affine_map<(d0, d1) -> (0)>
module attributes {stable_mosaic.version = 14 : i64} {
  func.func @_body(%arg0: i32, %arg1: i32, %arg2: memref<26x16384xi32, #tpu.memory_space<hbm>>, %arg3: memref<2600000xf32, #tpu.memory_space<hbm>>, %arg4: memref<16xf32, #tpu.memory_space<hbm>>, %arg5: memref<16384xf32, #tpu.memory_space<hbm>>, %arg6: memref<26x512xi32, #tpu.memory_space<vmem>>, %arg7: memref<13312xi32, #tpu.memory_space<vmem>>, %arg8: memref<13312xf32, #tpu.memory_space<vmem>>, %arg9: memref<512xf32, #tpu.memory_space<vmem>>, %arg10: memref<16xf32, #tpu.memory_space<vmem>>, %arg11: memref<!tpu.dma_semaphore, #tpu.memory_space<semaphore_mem>>) attributes {dimension_semantics = [#tpu.dimension_semantics<core_parallel>, #tpu.dimension_semantics<subcore_parallel>], iteration_bounds = array<i64: 2, 16>, scalar_prefetch = 0 : i64, scratch_operands = 6 : i64, tpu.core_type = #tpu.core_type<sc_vector_subcore>, window_params = [{transform_indices = #map}, {transform_indices = #map1}, {transform_indices = #map1}, {transform_indices = #map1}]} {
    %mul3A = arith.constant 16 : i32
    %mul3A_0 = arith.muli %arg0, %mul3A : i32
    %add3A = arith.addi %mul3A_0, %arg1 : i32
    %mul3A_1 = arith.constant 512 : i32
    %mul3A_2 = arith.muli %add3A, %mul3A_1 : i32
    "tpu.region"() ({
      %run_scoped3A = tpu.sem_alloc : memref<!tpu.dma_semaphore, #tpu.memory_space<semaphore_mem>>
      %dma_start3A_20 = arith.constant 0 : i32
      %dma_start3A_21 = tpu.memref_slice %arg2[%dma_start3A_20, %mul3A_2] : memref<26x16384xi32, #tpu.memory_space<hbm>> -> memref<26x512xi32, #tpu.memory_space<hbm>>
      %dma_start3A_22 = arith.constant 0 : i32
      %dma_start3A_23 = tpu.memref_slice %arg2[%dma_start3A_22, %mul3A_2] : memref<26x16384xi32, #tpu.memory_space<hbm>> -> memref<26x512xi32, #tpu.memory_space<hbm>>
      tpu.enqueue_dma source(%dma_start3A_23 : memref<26x512xi32, #tpu.memory_space<hbm>>) target(%arg6 : memref<26x512xi32, #tpu.memory_space<vmem>>) target_semaphore(%run_scoped3A : memref<!tpu.dma_semaphore, #tpu.memory_space<semaphore_mem>>)
      %dma_wait3A_24 = arith.constant 0 : i32
      %dma_wait3A_25 = tpu.memref_slice %arg2[%dma_wait3A_24, %mul3A_2] : memref<26x16384xi32, #tpu.memory_space<hbm>> -> memref<26x512xi32, #tpu.memory_space<hbm>>
      %dma_wait3A_26 = arith.constant 0 : i32
      %dma_wait3A_27 = tpu.memref_slice %arg2[%dma_wait3A_26, %mul3A_2] : memref<26x16384xi32, #tpu.memory_space<hbm>> -> memref<26x512xi32, #tpu.memory_space<hbm>>
      tpu.wait_dma2 semaphore(%run_scoped3A : memref<!tpu.dma_semaphore, #tpu.memory_space<semaphore_mem>>) src(%dma_wait3A_27 : memref<26x512xi32, #tpu.memory_space<hbm>>) dst(%arg6 : memref<26x512xi32, #tpu.memory_space<vmem>>)
      tpu.yield
    }) : () -> ()
    "tpu.region"() ({
      %run_scoped3A = tpu.sem_alloc : memref<!tpu.dma_semaphore, #tpu.memory_space<semaphore_mem>>
      tpu.enqueue_dma source(%arg4 : memref<16xf32, #tpu.memory_space<hbm>>) target(%arg10 : memref<16xf32, #tpu.memory_space<vmem>>) target_semaphore(%run_scoped3A : memref<!tpu.dma_semaphore, #tpu.memory_space<semaphore_mem>>)
      tpu.wait_dma2 semaphore(%run_scoped3A : memref<!tpu.dma_semaphore, #tpu.memory_space<semaphore_mem>>) src(%arg4 : memref<16xf32, #tpu.memory_space<hbm>>) dst(%arg10 : memref<16xf32, #tpu.memory_space<vmem>>)
      tpu.yield
    }) : () -> ()
    %scan3A = arith.constant 0 : i32
    %scan3A_3 = arith.constant 0 : i32
    %scan3A_4 = arith.constant 832 : i32
    %scan3A_5 = arith.addi %scan3A_3, %scan3A_4 : i32
    %scan3A_6 = arith.constant 1 : i32
    %scan3A_7 = scf.for %scan3A_20 = %scan3A_3 to %scan3A_5 step %scan3A_6 iter_args(%scan3A_21 = %scan3A) -> (i32)  : i32 {
      %shift_right_arithmetic3A = arith.constant 5 : i32
      %shift_right_arithmetic3A_22 = arith.shrsi %scan3A_20, %shift_right_arithmetic3A : i32
      %and3A = arith.constant 31 : i32
      %and3A_23 = arith.andi %scan3A_20, %and3A : i32
      %mul3A_24 = arith.constant 16 : i32
      %mul3A_25 = arith.muli %and3A_23, %mul3A_24 : i32
      %get3A_26 = arith.index_cast %shift_right_arithmetic3A_22 : i32 to index
      %get3A_27 = arith.index_cast %mul3A_25 : i32 to index
      %get3A_28 = tpu.vector_load %arg6[%get3A_26, %get3A_27] {strides = array<i32>} : memref<26x512xi32, #tpu.memory_space<vmem>>, vector<1x16xi32>,
      %get3A_29 = vector.shape_cast %get3A_28 : vector<1x16xi32> to vector<16xi32>
      %mul3A_30 = arith.constant 100000 : i32
      %mul3A_31 = arith.muli %shift_right_arithmetic3A_22, %mul3A_30 : i32
      %add3A_32 = vector.broadcast %mul3A_31 : i32 to vector<16xi32>
      %add3A_33 = arith.addi %get3A_29, %add3A_32 : vector<16xi32>
      %mul3A_34 = arith.constant 16 : i32
      %mul3A_35 = arith.muli %scan3A_20, %mul3A_34 : i32
      %swap3A = arith.index_cast %mul3A_35 : i32 to index
      %swap3A_36 = tpu.vector_load %arg7[%swap3A] {strides = array<i32>} : memref<13312xi32, #tpu.memory_space<vmem>>, vector<16xi32>,
      %swap3A_37 = vector.shape_cast %swap3A_36 : vector<16xi32> to vector<16xi32>
      %swap3A_38 = vector.shape_cast %add3A_33 : vector<16xi32> to vector<16xi32>
      tpu.vector_store %arg7[%swap3A], %swap3A_38 {strides = array<i32>} : memref<13312xi32, #tpu.memory_space<vmem>>, vector<16xi32>,
      %scan3A_39 = arith.constant 0 : i32
      scf.yield %scan3A_39 : i32
    }
    %scan3A_8 = arith.constant 832 : i32
    %dma_start3A = arith.constant 0 : i32
    %dma_start3A_9 = tpu.memref_slice %arg3[%dma_start3A] : memref<2600000xf32, #tpu.memory_space<hbm>> -> memref<2600000xf32, #tpu.memory_space<hbm>>
    tpu.enqueue_indirect_dma source(%dma_start3A_9 : memref<2600000xf32, #tpu.memory_space<hbm>>) target(%arg8 : memref<13312xf32, #tpu.memory_space<vmem>>) offsets(%arg7 : memref<13312xi32, #tpu.memory_space<vmem>>) semaphore(%arg11 : memref<!tpu.dma_semaphore, #tpu.memory_space<semaphore_mem>>)
    %dma_wait3A = arith.constant 0 : i32
    %dma_wait3A_10 = tpu.memref_slice %arg3[%dma_wait3A] : memref<2600000xf32, #tpu.memory_space<hbm>> -> memref<2600000xf32, #tpu.memory_space<hbm>>
    tpu.wait_indirect_dma semaphore(%arg11 : memref<!tpu.dma_semaphore, #tpu.memory_space<semaphore_mem>>) src(%dma_wait3A_10 : memref<2600000xf32, #tpu.memory_space<hbm>>) dst(%arg8 : memref<13312xf32, #tpu.memory_space<vmem>>)
    %get3A = arith.constant 0 : index
    %get3A_11 = tpu.vector_load %arg10[%get3A] {strides = array<i32>} : memref<16xf32, #tpu.memory_space<vmem>>, vector<16xf32>,
    %get3A_12 = vector.shape_cast %get3A_11 : vector<16xf32> to vector<16xf32>
    %scan3A_13 = arith.constant 0 : i32
    %scan3A_14 = arith.constant 0 : i32
    %scan3A_15 = arith.constant 32 : i32
    %scan3A_16 = arith.addi %scan3A_14, %scan3A_15 : i32
    %scan3A_17 = arith.constant 1 : i32
    %scan3A_18 = scf.for %scan3A_20 = %scan3A_14 to %scan3A_16 step %scan3A_17 iter_args(%scan3A_21 = %scan3A_13) -> (i32)  : i32 {
      %mul3A_22 = arith.constant 16 : i32
      %mul3A_23 = arith.muli %scan3A_20, %mul3A_22 : i32
      %add3A_24 = arith.constant 0 : i32
      %add3A_25 = arith.addi %add3A_24, %mul3A_23 : i32
      %get3A_26 = arith.index_cast %add3A_25 : i32 to index
      %get3A_27 = tpu.vector_load %arg8[%get3A_26] {strides = array<i32>} : memref<13312xf32, #tpu.memory_space<vmem>>, vector<16xf32>,
      %get3A_28 = vector.shape_cast %get3A_27 : vector<16xf32> to vector<16xf32>
      %add3A_29 = arith.addf %get3A_12, %get3A_28 : vector<16xf32>
      %mul3A_30 = arith.constant 16 : i32
      %mul3A_31 = arith.muli %scan3A_20, %mul3A_30 : i32
      %add3A_32 = arith.constant 512 : i32
      %add3A_33 = arith.addi %add3A_32, %mul3A_31 : i32
      %get3A_34 = arith.index_cast %add3A_33 : i32 to index
      %get3A_35 = tpu.vector_load %arg8[%get3A_34] {strides = array<i32>} : memref<13312xf32, #tpu.memory_space<vmem>>, vector<16xf32>,
      %get3A_36 = vector.shape_cast %get3A_35 : vector<16xf32> to vector<16xf32>
      %add3A_37 = arith.addf %add3A_29, %get3A_36 : vector<16xf32>
      %mul3A_38 = arith.constant 16 : i32
      %mul3A_39 = arith.muli %scan3A_20, %mul3A_38 : i32
      %add3A_40 = arith.constant 1024 : i32
      %add3A_41 = arith.addi %add3A_40, %mul3A_39 : i32
      %get3A_42 = arith.index_cast %add3A_41 : i32 to index
      %get3A_43 = tpu.vector_load %arg8[%get3A_42] {strides = array<i32>} : memref<13312xf32, #tpu.memory_space<vmem>>, vector<16xf32>,
      %get3A_44 = vector.shape_cast %get3A_43 : vector<16xf32> to vector<16xf32>
      %add3A_45 = arith.addf %add3A_37, %get3A_44 : vector<16xf32>
      %mul3A_46 = arith.constant 16 : i32
      %mul3A_47 = arith.muli %scan3A_20, %mul3A_46 : i32
      %add3A_48 = arith.constant 1536 : i32
      %add3A_49 = arith.addi %add3A_48, %mul3A_47 : i32
      %get3A_50 = arith.index_cast %add3A_49 : i32 to index
      %get3A_51 = tpu.vector_load %arg8[%get3A_50] {strides = array<i32>} : memref<13312xf32, #tpu.memory_space<vmem>>, vector<16xf32>,
      %get3A_52 = vector.shape_cast %get3A_51 : vector<16xf32> to vector<16xf32>
      %add3A_53 = arith.addf %add3A_45, %get3A_52 : vector<16xf32>
      %mul3A_54 = arith.constant 16 : i32
      %mul3A_55 = arith.muli %scan3A_20, %mul3A_54 : i32
      %add3A_56 = arith.constant 2048 : i32
      %add3A_57 = arith.addi %add3A_56, %mul3A_55 : i32
      %get3A_58 = arith.index_cast %add3A_57 : i32 to index
      %get3A_59 = tpu.vector_load %arg8[%get3A_58] {strides = array<i32>} : memref<13312xf32, #tpu.memory_space<vmem>>, vector<16xf32>,
      %get3A_60 = vector.shape_cast %get3A_59 : vector<16xf32> to vector<16xf32>
      %add3A_61 = arith.addf %add3A_53, %get3A_60 : vector<16xf32>
      %mul3A_62 = arith.constant 16 : i32
      %mul3A_63 = arith.muli %scan3A_20, %mul3A_62 : i32
      %add3A_64 = arith.constant 2560 : i32
      %add3A_65 = arith.addi %add3A_64, %mul3A_63 : i32
      %get3A_66 = arith.index_cast %add3A_65 : i32 to index
      %get3A_67 = tpu.vector_load %arg8[%get3A_66] {strides = array<i32>} : memref<13312xf32, #tpu.memory_space<vmem>>, vector<16xf32>,
      %get3A_68 = vector.shape_cast %get3A_67 : vector<16xf32> to vector<16xf32>
      %add3A_69 = arith.addf %add3A_61, %get3A_68 : vector<16xf32>
      %mul3A_70 = arith.constant 16 : i32
      %mul3A_71 = arith.muli %scan3A_20, %mul3A_70 : i32
      %add3A_72 = arith.constant 3072 : i32
      %add3A_73 = arith.addi %add3A_72, %mul3A_71 : i32
      %get3A_74 = arith.index_cast %add3A_73 : i32 to index
      %get3A_75 = tpu.vector_load %arg8[%get3A_74] {strides = array<i32>} : memref<13312xf32, #tpu.memory_space<vmem>>, vector<16xf32>,
      %get3A_76 = vector.shape_cast %get3A_75 : vector<16xf32> to vector<16xf32>
      %add3A_77 = arith.addf %add3A_69, %get3A_76 : vector<16xf32>
      %mul3A_78 = arith.constant 16 : i32
      %mul3A_79 = arith.muli %scan3A_20, %mul3A_78 : i32
      %add3A_80 = arith.constant 3584 : i32
      %add3A_81 = arith.addi %add3A_80, %mul3A_79 : i32
      %get3A_82 = arith.index_cast %add3A_81 : i32 to index
      %get3A_83 = tpu.vector_load %arg8[%get3A_82] {strides = array<i32>} : memref<13312xf32, #tpu.memory_space<vmem>>, vector<16xf32>,
      %get3A_84 = vector.shape_cast %get3A_83 : vector<16xf32> to vector<16xf32>
      %add3A_85 = arith.addf %add3A_77, %get3A_84 : vector<16xf32>
      %mul3A_86 = arith.constant 16 : i32
      %mul3A_87 = arith.muli %scan3A_20, %mul3A_86 : i32
      %add3A_88 = arith.constant 4096 : i32
      %add3A_89 = arith.addi %add3A_88, %mul3A_87 : i32
      %get3A_90 = arith.index_cast %add3A_89 : i32 to index
      %get3A_91 = tpu.vector_load %arg8[%get3A_90] {strides = array<i32>} : memref<13312xf32, #tpu.memory_space<vmem>>, vector<16xf32>,
      %get3A_92 = vector.shape_cast %get3A_91 : vector<16xf32> to vector<16xf32>
      %add3A_93 = arith.addf %add3A_85, %get3A_92 : vector<16xf32>
      %mul3A_94 = arith.constant 16 : i32
      %mul3A_95 = arith.muli %scan3A_20, %mul3A_94 : i32
      %add3A_96 = arith.constant 4608 : i32
      %add3A_97 = arith.addi %add3A_96, %mul3A_95 : i32
      %get3A_98 = arith.index_cast %add3A_97 : i32 to index
      %get3A_99 = tpu.vector_load %arg8[%get3A_98] {strides = array<i32>} : memref<13312xf32, #tpu.memory_space<vmem>>, vector<16xf32>,
      %get3A_100 = vector.shape_cast %get3A_99 : vector<16xf32> to vector<16xf32>
      %add3A_101 = arith.addf %add3A_93, %get3A_100 : vector<16xf32>
      %mul3A_102 = arith.constant 16 : i32
      %mul3A_103 = arith.muli %scan3A_20, %mul3A_102 : i32
      %add3A_104 = arith.constant 5120 : i32
      %add3A_105 = arith.addi %add3A_104, %mul3A_103 : i32
      %get3A_106 = arith.index_cast %add3A_105 : i32 to index
      %get3A_107 = tpu.vector_load %arg8[%get3A_106] {strides = array<i32>} : memref<13312xf32, #tpu.memory_space<vmem>>, vector<16xf32>,
      %get3A_108 = vector.shape_cast %get3A_107 : vector<16xf32> to vector<16xf32>
      %add3A_109 = arith.addf %add3A_101, %get3A_108 : vector<16xf32>
      %mul3A_110 = arith.constant 16 : i32
      %mul3A_111 = arith.muli %scan3A_20, %mul3A_110 : i32
      %add3A_112 = arith.constant 5632 : i32
      %add3A_113 = arith.addi %add3A_112, %mul3A_111 : i32
      %get3A_114 = arith.index_cast %add3A_113 : i32 to index
      %get3A_115 = tpu.vector_load %arg8[%get3A_114] {strides = array<i32>} : memref<13312xf32, #tpu.memory_space<vmem>>, vector<16xf32>,
      %get3A_116 = vector.shape_cast %get3A_115 : vector<16xf32> to vector<16xf32>
      %add3A_117 = arith.addf %add3A_109, %get3A_116 : vector<16xf32>
      %mul3A_118 = arith.constant 16 : i32
      %mul3A_119 = arith.muli %scan3A_20, %mul3A_118 : i32
      %add3A_120 = arith.constant 6144 : i32
      %add3A_121 = arith.addi %add3A_120, %mul3A_119 : i32
      %get3A_122 = arith.index_cast %add3A_121 : i32 to index
      %get3A_123 = tpu.vector_load %arg8[%get3A_122] {strides = array<i32>} : memref<13312xf32, #tpu.memory_space<vmem>>, vector<16xf32>,
      %get3A_124 = vector.shape_cast %get3A_123 : vector<16xf32> to vector<16xf32>
      %add3A_125 = arith.addf %add3A_117, %get3A_124 : vector<16xf32>
      %mul3A_126 = arith.constant 16 : i32
      %mul3A_127 = arith.muli %scan3A_20, %mul3A_126 : i32
      %add3A_128 = arith.constant 6656 : i32
      %add3A_129 = arith.addi %add3A_128, %mul3A_127 : i32
      %get3A_130 = arith.index_cast %add3A_129 : i32 to index
      %get3A_131 = tpu.vector_load %arg8[%get3A_130] {strides = array<i32>} : memref<13312xf32, #tpu.memory_space<vmem>>, vector<16xf32>,
      %get3A_132 = vector.shape_cast %get3A_131 : vector<16xf32> to vector<16xf32>
      %add3A_133 = arith.addf %add3A_125, %get3A_132 : vector<16xf32>
      %mul3A_134 = arith.constant 16 : i32
      %mul3A_135 = arith.muli %scan3A_20, %mul3A_134 : i32
      %add3A_136 = arith.constant 7168 : i32
      %add3A_137 = arith.addi %add3A_136, %mul3A_135 : i32
      %get3A_138 = arith.index_cast %add3A_137 : i32 to index
      %get3A_139 = tpu.vector_load %arg8[%get3A_138] {strides = array<i32>} : memref<13312xf32, #tpu.memory_space<vmem>>, vector<16xf32>,
      %get3A_140 = vector.shape_cast %get3A_139 : vector<16xf32> to vector<16xf32>
      %add3A_141 = arith.addf %add3A_133, %get3A_140 : vector<16xf32>
      %mul3A_142 = arith.constant 16 : i32
      %mul3A_143 = arith.muli %scan3A_20, %mul3A_142 : i32
      %add3A_144 = arith.constant 7680 : i32
      %add3A_145 = arith.addi %add3A_144, %mul3A_143 : i32
      %get3A_146 = arith.index_cast %add3A_145 : i32 to index
      %get3A_147 = tpu.vector_load %arg8[%get3A_146] {strides = array<i32>} : memref<13312xf32, #tpu.memory_space<vmem>>, vector<16xf32>,
      %get3A_148 = vector.shape_cast %get3A_147 : vector<16xf32> to vector<16xf32>
      %add3A_149 = arith.addf %add3A_141, %get3A_148 : vector<16xf32>
      %mul3A_150 = arith.constant 16 : i32
      %mul3A_151 = arith.muli %scan3A_20, %mul3A_150 : i32
      %add3A_152 = arith.constant 8192 : i32
      %add3A_153 = arith.addi %add3A_152, %mul3A_151 : i32
      %get3A_154 = arith.index_cast %add3A_153 : i32 to index
      %get3A_155 = tpu.vector_load %arg8[%get3A_154] {strides = array<i32>} : memref<13312xf32, #tpu.memory_space<vmem>>, vector<16xf32>,
      %get3A_156 = vector.shape_cast %get3A_155 : vector<16xf32> to vector<16xf32>
      %add3A_157 = arith.addf %add3A_149, %get3A_156 : vector<16xf32>
      %mul3A_158 = arith.constant 16 : i32
      %mul3A_159 = arith.muli %scan3A_20, %mul3A_158 : i32
      %add3A_160 = arith.constant 8704 : i32
      %add3A_161 = arith.addi %add3A_160, %mul3A_159 : i32
      %get3A_162 = arith.index_cast %add3A_161 : i32 to index
      %get3A_163 = tpu.vector_load %arg8[%get3A_162] {strides = array<i32>} : memref<13312xf32, #tpu.memory_space<vmem>>, vector<16xf32>,
      %get3A_164 = vector.shape_cast %get3A_163 : vector<16xf32> to vector<16xf32>
      %add3A_165 = arith.addf %add3A_157, %get3A_164 : vector<16xf32>
      %mul3A_166 = arith.constant 16 : i32
      %mul3A_167 = arith.muli %scan3A_20, %mul3A_166 : i32
      %add3A_168 = arith.constant 9216 : i32
      %add3A_169 = arith.addi %add3A_168, %mul3A_167 : i32
      %get3A_170 = arith.index_cast %add3A_169 : i32 to index
      %get3A_171 = tpu.vector_load %arg8[%get3A_170] {strides = array<i32>} : memref<13312xf32, #tpu.memory_space<vmem>>, vector<16xf32>,
      %get3A_172 = vector.shape_cast %get3A_171 : vector<16xf32> to vector<16xf32>
      %add3A_173 = arith.addf %add3A_165, %get3A_172 : vector<16xf32>
      %mul3A_174 = arith.constant 16 : i32
      %mul3A_175 = arith.muli %scan3A_20, %mul3A_174 : i32
      %add3A_176 = arith.constant 9728 : i32
      %add3A_177 = arith.addi %add3A_176, %mul3A_175 : i32
      %get3A_178 = arith.index_cast %add3A_177 : i32 to index
      %get3A_179 = tpu.vector_load %arg8[%get3A_178] {strides = array<i32>} : memref<13312xf32, #tpu.memory_space<vmem>>, vector<16xf32>,
      %get3A_180 = vector.shape_cast %get3A_179 : vector<16xf32> to vector<16xf32>
      %add3A_181 = arith.addf %add3A_173, %get3A_180 : vector<16xf32>
      %mul3A_182 = arith.constant 16 : i32
      %mul3A_183 = arith.muli %scan3A_20, %mul3A_182 : i32
      %add3A_184 = arith.constant 10240 : i32
      %add3A_185 = arith.addi %add3A_184, %mul3A_183 : i32
      %get3A_186 = arith.index_cast %add3A_185 : i32 to index
      %get3A_187 = tpu.vector_load %arg8[%get3A_186] {strides = array<i32>} : memref<13312xf32, #tpu.memory_space<vmem>>, vector<16xf32>,
      %get3A_188 = vector.shape_cast %get3A_187 : vector<16xf32> to vector<16xf32>
      %add3A_189 = arith.addf %add3A_181, %get3A_188 : vector<16xf32>
      %mul3A_190 = arith.constant 16 : i32
      %mul3A_191 = arith.muli %scan3A_20, %mul3A_190 : i32
      %add3A_192 = arith.constant 10752 : i32
      %add3A_193 = arith.addi %add3A_192, %mul3A_191 : i32
      %get3A_194 = arith.index_cast %add3A_193 : i32 to index
      %get3A_195 = tpu.vector_load %arg8[%get3A_194] {strides = array<i32>} : memref<13312xf32, #tpu.memory_space<vmem>>, vector<16xf32>,
      %get3A_196 = vector.shape_cast %get3A_195 : vector<16xf32> to vector<16xf32>
      %add3A_197 = arith.addf %add3A_189, %get3A_196 : vector<16xf32>
      %mul3A_198 = arith.constant 16 : i32
      %mul3A_199 = arith.muli %scan3A_20, %mul3A_198 : i32
      %add3A_200 = arith.constant 11264 : i32
      %add3A_201 = arith.addi %add3A_200, %mul3A_199 : i32
      %get3A_202 = arith.index_cast %add3A_201 : i32 to index
      %get3A_203 = tpu.vector_load %arg8[%get3A_202] {strides = array<i32>} : memref<13312xf32, #tpu.memory_space<vmem>>, vector<16xf32>,
      %get3A_204 = vector.shape_cast %get3A_203 : vector<16xf32> to vector<16xf32>
      %add3A_205 = arith.addf %add3A_197, %get3A_204 : vector<16xf32>
      %mul3A_206 = arith.constant 16 : i32
      %mul3A_207 = arith.muli %scan3A_20, %mul3A_206 : i32
      %add3A_208 = arith.constant 11776 : i32
      %add3A_209 = arith.addi %add3A_208, %mul3A_207 : i32
      %get3A_210 = arith.index_cast %add3A_209 : i32 to index
      %get3A_211 = tpu.vector_load %arg8[%get3A_210] {strides = array<i32>} : memref<13312xf32, #tpu.memory_space<vmem>>, vector<16xf32>,
      %get3A_212 = vector.shape_cast %get3A_211 : vector<16xf32> to vector<16xf32>
      %add3A_213 = arith.addf %add3A_205, %get3A_212 : vector<16xf32>
      %mul3A_214 = arith.constant 16 : i32
      %mul3A_215 = arith.muli %scan3A_20, %mul3A_214 : i32
      %add3A_216 = arith.constant 12288 : i32
      %add3A_217 = arith.addi %add3A_216, %mul3A_215 : i32
      %get3A_218 = arith.index_cast %add3A_217 : i32 to index
      %get3A_219 = tpu.vector_load %arg8[%get3A_218] {strides = array<i32>} : memref<13312xf32, #tpu.memory_space<vmem>>, vector<16xf32>,
      %get3A_220 = vector.shape_cast %get3A_219 : vector<16xf32> to vector<16xf32>
      %add3A_221 = arith.addf %add3A_213, %get3A_220 : vector<16xf32>
      %mul3A_222 = arith.constant 16 : i32
      %mul3A_223 = arith.muli %scan3A_20, %mul3A_222 : i32
      %add3A_224 = arith.constant 12800 : i32
      %add3A_225 = arith.addi %add3A_224, %mul3A_223 : i32
      %get3A_226 = arith.index_cast %add3A_225 : i32 to index
      %get3A_227 = tpu.vector_load %arg8[%get3A_226] {strides = array<i32>} : memref<13312xf32, #tpu.memory_space<vmem>>, vector<16xf32>,
      %get3A_228 = vector.shape_cast %get3A_227 : vector<16xf32> to vector<16xf32>
      %add3A_229 = arith.addf %add3A_221, %get3A_228 : vector<16xf32>
      %mul3A_230 = arith.constant 16 : i32
      %mul3A_231 = arith.muli %scan3A_20, %mul3A_230 : i32
      %swap3A = arith.index_cast %mul3A_231 : i32 to index
      %swap3A_232 = tpu.vector_load %arg9[%swap3A] {strides = array<i32>} : memref<512xf32, #tpu.memory_space<vmem>>, vector<16xf32>,
      %swap3A_233 = vector.shape_cast %swap3A_232 : vector<16xf32> to vector<16xf32>
      %swap3A_234 = vector.shape_cast %add3A_229 : vector<16xf32> to vector<16xf32>
      tpu.vector_store %arg9[%swap3A], %swap3A_234 {strides = array<i32>} : memref<512xf32, #tpu.memory_space<vmem>>, vector<16xf32>,
      %scan3A_235 = arith.constant 0 : i32
      scf.yield %scan3A_235 : i32
    }
    %scan3A_19 = arith.constant 32 : i32
    "tpu.region"() ({
      %run_scoped3A = tpu.sem_alloc : memref<!tpu.dma_semaphore, #tpu.memory_space<semaphore_mem>>
      %dma_start3A_20 = tpu.memref_slice %arg5[%mul3A_2] : memref<16384xf32, #tpu.memory_space<hbm>> -> memref<512xf32, #tpu.memory_space<hbm>>
      %dma_start3A_21 = tpu.memref_slice %arg5[%mul3A_2] : memref<16384xf32, #tpu.memory_space<hbm>> -> memref<512xf32, #tpu.memory_space<hbm>>
      tpu.enqueue_dma source(%arg9 : memref<512xf32, #tpu.memory_space<vmem>>) target(%dma_start3A_21 : memref<512xf32, #tpu.memory_space<hbm>>) target_semaphore(%run_scoped3A : memref<!tpu.dma_semaphore, #tpu.memory_space<semaphore_mem>>)
      %dma_wait3A_22 = tpu.memref_slice %arg5[%mul3A_2] : memref<16384xf32, #tpu.memory_space<hbm>> -> memref<512xf32, #tpu.memory_space<hbm>>
      %dma_wait3A_23 = tpu.memref_slice %arg5[%mul3A_2] : memref<16384xf32, #tpu.memory_space<hbm>> -> memref<512xf32, #tpu.memory_space<hbm>>
      tpu.wait_dma2 semaphore(%run_scoped3A : memref<!tpu.dma_semaphore, #tpu.memory_space<semaphore_mem>>) src(%arg9 : memref<512xf32, #tpu.memory_space<vmem>>) dst(%dma_wait3A_23 : memref<512xf32, #tpu.memory_space<hbm>>)
      tpu.yield
    }) : () -> ()
    return
  }
}

</mosaic_0001>

<sc_bundles>
// kernel: _run.3.cloned.1.call-start
scs
__scs_entry_jumppad:
0x0: {  	(pc) =	sbr.rel $0x88, $3  }
0x1: {  	(tag) =	ssettag $0x0;
	lr =	simm.s32 $0x1  }
0x2: {  	[smem:$0x3F9E] =	sst lr;
	_ =	strace $0xD0000000  }
0x3: {  	_ = 	snop  }
0x4: {  	_ = 	snop  }
0x5: {  	_ = 	snop  }
0x6: {  	_ = 	snop  }
0x7: {  	_ = 	snop  }
__scs_overlays_trampoline_lowered:
0x8: {  	[smem:$0x3FAD] =	sst s0  }
0x9: {  	[smem:$0x3FAE] =	sst s1  }
0xa: {  	[smem:$0x3FAF] =	sst s2  }
0xb: {  	[smem:$0x3FB0] =	sst s3  }
0xc: {  	[smem:$0x3FB1] =	sst s4  }
0xd: {  	[smem:$0x3FB2] =	sst s5  }
0xe: {  	[smem:$0x3FB3] =	sst s6  }
0xf: {  	[smem:$0x3FB4] =	sst s7  }
0x10: {  	[smem:$0x3FB5] =	sst s8  }
0x11: {  	[smem:$0x3FB6] =	sst s9;
	s0 =	simm.s32 @!p0 $0x0  }
0x12: {  	s1 =	sld [smem:$0x3F9C];
	s0 =	simm.s32 @p0 $0x1  }
0x13: {  	[smem:$0x3FB7] =	sst s0;
	s0 =	simm.s32 @!p1 $0x0  }
0x14: {  	s2 =	sld [smem:$0x3F9B];
	s0 =	simm.s32 @p1 $0x1  }
0x15: {  	[smem:$0x3FB8] =	sst s0;
	s0 =	simm.s32 @!p2 $0x0  }
0x16: {  	s3 =	sld [smem:$0x3FDB];
	s0 =	simm.s32 @p2 $0x1  }
0x17: {  	s4 =	simm.s32 $0x1BF5;
	[smem:$0x3FBA] =	sst s0  }
0x18: {  	s0 =	sld [smem:$0x3F9D];
	_ =	swait.ge [sflag:s4], $0x0  }
0x19: {  	s7 =	sld [smem:$0x3F9E]  }
0x1a: {  	s8 =	sadd.s32 $0xFFFFE003, lr  }
0x1b: {  	s9 =	sadd.s32 $0xFFFFFEF7, lr;
	s5 =	simm.s32 $0xFFFFFFFF;
	p2 =	slt.u32 s8, $0xFFFFF086  }
0x1c: {  	p1 =	slt.u32 s9, $0xF7A;
	s5 =	simm.s32 @!p2 $0x0  }
0x1d: {  	s5 =	simm.s32 @p1 $0x1;
	p0 =	seq.s32 s7, s2  }
0x1e: {  	s7 =	smul.u32 @!p0 $0xF7A, s2;
	p2 =	seq.s32 @!p0 s5, $0x0  }
0x1f: {  	s9 =	smul.u32 $0xF7A, s1;
	s8 =	simm.s32 @!p0 $0x1BF5;
	p2 =	por !p2, p0  }
0x20: {  	[sflag:s8] =	ssyncset.s32 @!p0 $0xFFFFF086;
	s6 =	sadd.s32 @!p0 s3, s7;
	s7 =	simm.s32 @!p0 $0x108  }
0x21: {  	s3 =	sadd.s32 s3, s9;
	s6 =	sadd.s32 @!p0 $0x88, s6;
	s7 =	simm.s32 @p2 $0x1082  }
0x22: {  	[simem:s7], [sflag:s8] =	dma.local @!p0 [hbm:s6], $0xF7A  }
0x23: {  	s9 =	sor.u32 $0xD0000000, s2;
	s6 =	simm.s32 $0x108;
	_ =	swait.ge @!p0 [sflag:s8], $0x0  }
0x24: {  	s3 =	sadd.s32 $0x88, s3;
	s6 =	simm.s32 @!p1 $0x1082;
	[sflag:s4] =	ssyncset.s32 $0xFFFFF086  }
0x25: {  	[simem:s6], [sflag:s4] =	dma.local [hbm:s3], $0xF7A  }
0x26: {  	[smem:$0x3F9E] =	sst s1;
	(tag) =	ssettag s2;
	_ =	strace s9  }
0x27: {  	s1 =	sld [smem:$0x3FAE]  }
0x28: {  	s2 =	sld [smem:$0x3FAF]  }
0x29: {  	s4 =	sld [smem:$0x3FB1]  }
0x2a: {  	p0 =	seq.s32 s5, $0x0;
	s5 =	sld [smem:$0x3FB2]  }
0x2b: {  	s6 =	sld [smem:$0x3FB3]  }
0x2c: {  	s7 =	sld [smem:$0x3FB4]  }
0x2d: {  	s3 =	simm.s32 $0x108;
	s8 =	sld [smem:$0x3FB5]  }
0x2e: {  	s3 =	simm.s32 @!p0 $0x1082;
	s9 =	sld [smem:$0x3FB6]  }
0x2f: {  	lr =	sadd.s32 s0, s3;
	s0 =	sld [smem:$0x3FAD]  }
0x30: {  	s3 =	sld [smem:$0x3FB0]  }
0x31: {  	[smem:$0x3FB9] =	sst s10  }
0x32: {  	s10 =	sld [smem:$0x3FB7];
	_ =	sdelay $0x3  }
0x33: {  	p0 =	seq.s32 s10, $0x1;
	s10 =	sld [smem:$0x3FB9];
	_ =	sdelay $0x3  }
0x34: {  	[smem:$0x3FB9] =	sst s10  }
0x35: {  	s10 =	sld [smem:$0x3FB8];
	_ =	sdelay $0x3  }
0x36: {  	p1 =	seq.s32 s10, $0x1;
	s10 =	sld [smem:$0x3FB9];
	_ =	sdelay $0x3  }
0x37: {  	[smem:$0x3FB9] =	sst s10  }
0x38: {  	s10 =	sld [smem:$0x3FBA]  }
0x39: {  	_ = 	snop;
	(pc) =	sbr.ind lr, $3  }
0x3a: {  	_ = 	snop  }
0x3b: {  	_ = 	snop  }
0x3c: {  	p2 =	seq.s32 s10, $0x1;
	s10 =	sld [smem:$0x3FB9]  }
0x3d: {  	_ =	shalt  }
0x3e: {  	_ =	shalt  }
0x3f: {  	_ =	shalt  }
0x40: {  	_ =	shalt  }
0x41: {  	_ =	shalt  }
0x42: {  	_ =	shalt  }
0x43: {  	_ =	shalt  }
0x44: {  	_ =	shalt  }
0x45: {  	_ =	shalt  }
0x46: {  	_ =	shalt  }
0x47: {  	_ =	shalt  }
0x48: {  	_ =	shalt  }
0x49: {  	_ =	shalt  }
0x4a: {  	_ =	shalt  }
0x4b: {  	_ =	shalt  }
0x4c: {  	_ =	shalt  }
0x4d: {  	_ =	shalt  }
0x4e: {  	_ =	shalt  }
0x4f: {  	_ =	shalt  }
0x50: {  	_ =	shalt  }
0x51: {  	_ =	shalt  }
0x52: {  	_ =	shalt  }
0x53: {  	_ =	shalt  }
0x54: {  	_ =	shalt  }
0x55: {  	_ =	shalt  }
0x56: {  	_ =	shalt  }
0x57: {  	_ =	shalt  }
0x58: {  	_ =	shalt  }
0x59: {  	_ =	shalt  }
0x5a: {  	_ =	shalt  }
0x5b: {  	_ =	shalt  }
0x5c: {  	_ =	shalt  }
0x5d: {  	_ =	shalt  }
0x5e: {  	_ =	shalt  }
0x5f: {  	_ =	shalt  }
0x60: {  	_ =	shalt  }
0x61: {  	_ =	shalt  }
0x62: {  	_ =	shalt  }
0x63: {  	_ =	shalt  }
0x64: {  	_ =	shalt  }
0x65: {  	_ =	shalt  }
0x66: {  	_ =	shalt  }
0x67: {  	_ =	shalt  }
0x68: {  	_ =	shalt  }
0x69: {  	_ =	shalt  }
0x6a: {  	_ =	shalt  }
0x6b: {  	_ =	shalt  }
0x6c: {  	_ =	shalt  }
0x6d: {  	_ =	shalt  }
0x6e: {  	_ =	shalt  }
0x6f: {  	_ =	shalt  }
0x70: {  	_ =	shalt  }
0x71: {  	_ =	shalt  }
0x72: {  	_ =	shalt  }
0x73: {  	_ =	shalt  }
0x74: {  	_ =	shalt  }
0x75: {  	_ =	shalt  }
0x76: {  	_ =	shalt  }
0x77: {  	_ =	shalt  }
0x78: {  	_ =	shalt  }
0x79: {  	_ =	shalt  }
0x7a: {  	_ =	shalt  }
0x7b: {  	_ =	shalt  }
0x7c: {  	_ =	shalt  }
0x7d: {  	_ =	shalt  }
0x7e: {  	_ =	shalt  }
0x7f: {  	_ =	shalt  }
0x80: {  	_ =	shalt  }
0x81: {  	_ =	shalt  }
0x82: {  	_ =	shalt  }
0x83: {  	_ =	shalt  }
0x84: {  	_ =	shalt  }
0x85: {  	_ =	shalt  }
0x86: {  	_ =	shalt  }
0x87: {  	_ =	shalt  }
.Lfunc_end0:
.L_simem_size_0:
called_computation_lowered:
.L_overlay_start_0:
0x88: {  	s2 =	sld [smem:$0x3FD9]  }
0x89: {  	s3 =	sld [smem:$0x3FFE];
	_ =	sdelay $0x1  }
0x8a: {  	s1 =	srdreg.scid  }
0x8b: {  	s0 =	sand.u32 $0x1, s1  }
0x8c: {  	s18 =	sshll.u32 s0, $0xA;
	s2 =	sadd.s32 s3, s2  }
0x8d: {  	s2 =	sadd.s32 s2, s18  }
0x8e: {  	[smem:$0x3FC5] =	sst s2  }
0x8f: {  	_ = 	snop  }
0x90: {  	s2 =	sld [smem:$0x3FC9]  }
0x91: {  	s19 =	sld [smem:$0x3FC8]  }
0x92: {  	s4 =	sld [smem:$0x3FC7]  }
0x93: {  	s5 =	sld [smem:$0x3FD0];
	(tm) =	ssettm $0x1  }
0x94: {  	s6 =	sld [smem:$0x3FFB];
	_ =	sdelay $0x3  }
0x95: {  	_ =	strace s6  }
0x96: {  	s6 =	sld [smem:$0x3FFC];
	_ =	sdelay $0x3  }
0x97: {  	_ =	strace s6  }
0x98: {  	s6 =	sld [smem:$0x3FFD];
	_ =	sdelay $0x3  }
0x99: {  	_ =	strace s6  }
0x9a: {  	_ =	strace $0x8FFFFFFF  }
0x9b: {  	s20 =	sld [smem:$0x3FDB];
	_ =	sdelay $0x1  }
0x9c: {  	s7 =	simm.s32 $_scs_section_size  }
0x9d: {  	s8 =	simm.s32 $_size__tile_overlayer_lowered;
	s9 =	simm.s32 $_tile_overlayer_lowered  }
0x9e: {  	s23 =	simm.s32 $0x1BFF;
	s22 =	sshll.u32 s9, $0x1;
	s6 =	sadd.s32 s7, s20  }
0x9f: {  	s10 =	simm.s32 $0x0;
	s21 =	sshll.u32 s8, $0x1;
	s8 =	sadd.s32 s22, s6  }
0xa0: {  	[timem:s10], [sflag:s23] =	dma.local [hbm:s8], s21  }
0xa1: {  	_ =	swait.ge [sflag:s23], s21  }
0xa2: {  	s7 =	ssub.s32 $0x0, s21;
	[sflag:s23] =	ssyncset.done $0x0  }
0xa3: {  	[sflag:s23] =	ssyncadd.s32 s7;
	_ =	sdelay $0x1  }
0xa4: {  	s24 =	simm.s32 $0x1B8B  }
0xa5: {  	_ =	swait.ge [sflag:s24], $0x1  }
0xa6: {  	[sflag:s24] =	ssyncset.done $0x0  }
0xa7: {  	s25 =	simm.s32 $0x1B8E;
	[sflag:s24] =	ssyncadd.s32 $0xFFFFFFFF  }
0xa8: {  	s26 =	simm.s32 $execute0_lowered;
	[smem:$0x3FD2] =	sst s25  }
0xa9: {  	s7 =	sshll.u32 s26, $0x1;
	_ =	strace $0x80000046;
	[dreg:$0x1] =	wrdreg $0xFFFFFFFF  }
0xaa: {  	s28 =	simm.s32 $_size_execute0_lowered;
	s6 =	sadd.s32 s6, s7;
	[dreg:$0x0] =	wrdreg $0x0  }
0xab: {  	s7 =	sshll.u32 s28, $0x1;
	[dreg:$0x2] =	wrdreg s6  }
0xac: {  	[dreg:$0x3] =	wrdreg s7  }
0xad: {  	[dreg:$0x4] =	wrdreg $0xC0  }
0xae: {  	_ =	task [dreg:s10], $0x5FFFF  }
0xaf: {  	[dreg:$0x1] =	wrdreg $0xFFFFFFFF  }
0xb0: {  	[dreg:$0x0] =	wrdreg $0x60  }
0xb1: {  	[dreg:$0x2] =	wrdreg s2  }
0xb2: {  	[dreg:$0x3] =	wrdreg s19  }
0xb3: {  	[dreg:$0x4] =	wrdreg s4  }
0xb4: {  	[dreg:$0x5] =	wrdreg s5  }
0xb5: {  	[dreg:$0x6] =	wrdreg $0x9  }
0xb6: {  	_ =	task.clear_ibuf [dreg:s10], $0x7FFFF;
	_ =	strace $0x90000046  }
0xb7: {  	s29 =	simm.s32 $0x9;
	_ =	strace $0x80000048  }
0xb8: {  	_ =	swait.ge [sflag:s29], $0x1  }
0xb9: {  	[sflag:s29] =	ssyncadd.s32 $0xFFFFFFFF  }
0xba: {  	_ =	strace $0x90000048  }
0xbb: {  	_ =	sfence  }
0xbc: {  	s30 =	sld [smem:$0x0];
	_ =	sdelay $0x2  }
0xbd: {  	s31 =	sshll.u32 s1, $0xD;
	s1 =	sshrl.u32 s1, $0x2  }
0xbe: {  	s3 =	sand.u32 $0x4000, s31;
	s1 =	sadd.s32 s1, s30  }
0xbf: {  	s0 =	sor.u32 s3, s0;
	s1 =	sshll.u32 s1, $0x11  }
0xc0: {  	s0 =	sor.u32 s1, s0  }
0xc1: {  	s0 =	sadd.s32 $0x8F2B, s0  }
0xc2: {  	[sflag:s0] =	ssyncadd.remote.s32 $0x1  }
0xc3: {  	_ =	sfence.sel $0xFFFF  }
0xc4: {  	[dreg:$0x0] =	wrdreg $0xFFFFFFFF;
	(pc) =	sbr.abs _section_cstart, $3  }
0xc5: {  	[dreg:$0x1] =	wrdreg $0xFFFFFFFF  }
0xc6: {  	_ =	task.clear_ibuf [dreg:s10], $0x2FFFF;
	_ =	strace $0x9FFFFFFF  }
0xc7: {  	(tm) =	ssettm $0x7FFFFFFF  }
tec
execute0_lowered:
.L_overlay_start_1:
0x0: {  	(tag) =	ssettag $0x1  }
0x1: {  	s5 =	rddreg [dreg:$0x0]  }
0x2: {  	s1 =	rddreg [dreg:$0x1]  }
0x3: {  	s2 =	rddreg [dreg:$0x2]  }
0x4: {  	s6 =	rddreg [dreg:$0x3]  }
0x5: {  	s0 =	rddreg [dreg:$0x4];
	s7 =	srdreg.scid  }
0x6: {  	s4 =	simm.s32 $0x0;
	s3 =	stileid.u32;
	s11 =	simm.s32 $0xAA00  }
0x7: {  	s12 =	simm.s32 $0x3400;
	s13 =	simm.s32 $0x4000;
	s14 =	simm.s32 $0x1  }
0x8: {  	s15 =	simm.s32 $0xA800;
	s16 =	simm.s32 $0x0;
	s7 =	sand.u32 $0x1, s7  }
0x9: {  	s9 =	sshll.u32 s3, $0x9;
	s8 =	ssub.s32 $0x2, s7;
	s7 =	sshll.u32 s7, $0xD  }
0xa: {  	[smem:$0x7FF] =	sst s4;
	s10 =	sshrl.u32 s8, $0x1;
	s7 =	sor.u32 s9, s7  }
0xb: {  	_ =	strace $0x80000047;
	s8 =	ssub.s32 s8, s10;
	s9 =	sshrl.u32 s7, $0x3  }
0xc: {  	s5 =	sadd.s32 s5, s7;
	s10 =	simm.s32 $0x2;
	s6 =	sadd.s32 s6, s9  }
0xd: {  	s7 =	smax.u32 s8, $0x1;
	s8 =	simm.s32 $0x1000;
	s9 =	simm.s32 $0x20000  }
.LBB2_1:
0xe: {  	[tilespmem:s4], [sflag:$0x2] =	stream.strided.gather [hbm4b:s5+s8], $0x4000, s9, s8, $0x38;
	[tilespmem:$0xAA80] =	vst v63  }
0xf: {  	_ =	swait.ge [sflag:s10], $0x4000  }
0x10: {  	s17 =	simm.s32 $0x0;
	s18 =	simm.s32 $0x0;
	[sflag:s10] =	ssyncset.done $0x0  }
0x11: {  	s19 =	sand.u32 $0xC00, s4;
	s17 =	sand.u32 $0x3000, s17;
	[sflag:s10] =	ssyncadd.s32 $0xFFFFC000  }
0x12: {  	[tilespmem:s11], [sflag:$0x2] =	stream.linear.gather [hbm4b:s2+s4], $0x80, $0x38;
	[tilespmem:$0xAA80] =	vst v63  }
0x13: {  	s18 =	sand.u32 $0x380, s18;
	s17 =	sor.u32 s19, s17;
	_ =	swait.ge [sflag:s10], $0x80  }
0x14: {  	s25 =	sand.u32 $0x70, s4;
	s17 =	sor.u32 s18, s17;
	[sflag:s10] =	ssyncset.done $0x0  }
0x15: {  	s17 =	sor.u32 s25, s17;
	[sflag:s10] =	ssyncadd.s32 $0xFFFFFF80  }
0x16: {  	v0 =	vld [tilespmem:s17+$0x0]  }
0x17: {  	s26 =	simm.s32 $0x4  }
0x18: {  	s28 =	simm.s32 $0x0;
	s29 =	simm.s32 $0x80;
	s20 =	simm.s32 $0x10  }
0x19: {  	s21 =	smul.u32 $0x186A0, s28;
	s30 =	sand.u32 $0x3000, s20;
	s19 =	sand.u32 $0xC00, s29  }
0x1a: {  	s19 =	sor.u32 s19, s30;
	s18 =	simm.s32 $0x10;
	s17 =	sand.u32 $0x380, s26  }
0x1b: {  	s31 =	sand.u32 $0x70, s18;
	s19 =	sor.u32 s17, s19;
	v0 =	vadd.s32 s21, v0  }
0x1c: {  	s22 =	simm.s32 $0x8;
	s23 =	simm.s32 $0x0;
	s19 =	sor.u32 s31, s19;
	[tilespmem:s13+$0x0] =	vst v0  }
0x1d: {  	s24 =	simm.s32 $0x20;
	s20 =	simm.s32 $0x100;
	s23 =	smul.u32 $0x186A0, s23;
	v0 =	vld [tilespmem:s19+$0x0]  }
0x1e: {  	s17 =	simm.s32 $0x2;
	s21 =	simm.s32 $0x3;
	s19 =	simm.s32 $0x4000  }
.LBB2_2:
0x1f: {  	p0 =	sne.s32 s21, $0x33F  }
0x20: {  	s24 =	sand.u32 $0x3000, s24;
	s25 =	sand.u32 $0xC00, s20;
	s22 =	sand.u32 $0x380, s22  }
0x21: {  	s18 =	sadd.s32 $0x10, s18;
	s19 =	sadd.s32 $0x10, s19;
	s24 =	sor.u32 s25, s24  }
.Ltmp0:
0x22: {  	s25 =	sand.u32 $0x70, s18;
	s22 =	sor.u32 s22, s24;
	v0 =	vadd.s32 s23, v0;
	(pc) =	sbr.rel @p0 .LBB2_2-.Ltmp0, $4  }
0x23: {  	s23 =	smov.u32 s17;
	s17 =	smov.u32 s21;
	s22 =	sor.u32 s25, s22;
	[tilespmem:s19+$0x0] =	vst v0  }
0x24: {  	v0 =	vld [tilespmem:s22+$0x0]  }
0x25: {  	s20 =	sadd.s32 $0x80, s20;
	s23 =	sshrl.u32 s23, $0x5;
	s22 =	sshll.u32 s21, $0x2  }
0x26: {  	s24 =	sshll.u32 s17, $0x4;
	s21 =	sadd.s32 $0x1, s21;
	s23 =	smul.u32 $0x186A0, s23  }
0x27: {  	s21 =	sand.u32 $0x3000, s24;
	s20 =	sand.u32 $0xC00, s20  }
0x28: {  	s22 =	sand.u32 $0x380, s22;
	s18 =	sadd.s32 $0x10, s18;
	s20 =	sor.u32 s20, s21  }
0x29: {  	s19 =	sadd.s32 $0x10, s19;
	s18 =	sand.u32 $0x70, s18;
	s20 =	sor.u32 s22, s20;
	v0 =	vadd.s32 s23, v0  }
0x2a: {  	s18 =	sor.u32 s18, s20;
	[tilespmem:s19+$0x0] =	vst v0  }
0x2b: {  	v0 =	vld [tilespmem:s18+$0x0];
	_ =	sdelay $0x1  }
0x2c: {  	s17 =	sshrl.u32 s17, $0x5  }
0x2d: {  	s17 =	smul.u32 $0x186A0, s17;
	_ =	sdelay $0x1  }
0x2e: {  	s28 =	sadd.s32 $0x10, s19;
	v0 =	vadd.s32 s17, v0  }
0x2f: {  	s29 =	simm.s32 $0x7400;
	[tilespmem:s28+$0x0] =	vst v0  }
0x30: {  	[tilespmem:s29], [sflag:$0x1] =	stream.indirect.gather [hbm4b:s1+s12], $0x1, s13, s12, $0xb8;
	[tilespmem:$0xAA80] =	vst v63  }
0x31: {  	_ =	swait.ge [sflag:s14], $0x3400  }
0x32: {  	[sflag:s14] =	ssyncset.done $0x0  }
0x33: {  	[sflag:s14] =	ssyncadd.s32 $0xFFFFCC00  }
0x34: {  	v0 =	vld [tilespmem:$0xAA00]  }
0x35: {  	s30 =	simm.s32 $0x0;
	v1 =	vld [tilespmem:s29+$0x0]  }
0x36: {  	s31 =	sand.u32 $0x1F0, s30  }
0x37: {  	v2 =	vld [tilespmem:s31+$0x7600];
	_ =	sdelay $0x1  }
0x38: {  	v3 =	vld [tilespmem:s31+$0x7800]  }
0x39: {  	v1 =	vadd.f32 v1, v0  }
0x3a: {  	v4 =	vld [tilespmem:s31+$0x7A00]  }
0x3b: {  	v1 =	vadd.f32 v2, v1  }
0x3c: {  	v2 =	vld [tilespmem:s31+$0x7C00]  }
0x3d: {  	v1 =	vadd.f32 v3, v1  }
0x3e: {  	v3 =	vld [tilespmem:s31+$0x7E00]  }
0x3f: {  	v1 =	vadd.f32 v4, v1  }
0x40: {  	v57 =	vld [tilespmem:s31+$0x8000]  }
0x41: {  	v1 =	vadd.f32 v2, v1  }
0x42: {  	v2 =	vld [tilespmem:s31+$0x8200]  }
0x43: {  	v1 =	vadd.f32 v3, v1  }
0x44: {  	v3 =	vld [tilespmem:s31+$0x8400]  }
0x45: {  	v1 =	vadd.f32 v57, v1  }
0x46: {  	v58 =	vld [tilespmem:s31+$0x8600]  }
0x47: {  	v1 =	vadd.f32 v2, v1  }
0x48: {  	v2 =	vld [tilespmem:s31+$0x8800]  }
0x49: {  	v1 =	vadd.f32 v3, v1  }
0x4a: {  	v3 =	vld [tilespmem:s31+$0x8A00]  }
0x4b: {  	v1 =	vadd.f32 v58, v1  }
0x4c: {  	v59 =	vld [tilespmem:s31+$0x8C00]  }
0x4d: {  	v1 =	vadd.f32 v2, v1  }
0x4e: {  	v2 =	vld [tilespmem:s31+$0x8E00]  }
0x4f: {  	v1 =	vadd.f32 v3, v1  }
0x50: {  	v3 =	vld [tilespmem:s31+$0x9000]  }
0x51: {  	v1 =	vadd.f32 v59, v1  }
0x52: {  	v60 =	vld [tilespmem:s31+$0x9200]  }
0x53: {  	v1 =	vadd.f32 v2, v1  }
0x54: {  	v2 =	vld [tilespmem:s31+$0x9400]  }
0x55: {  	v1 =	vadd.f32 v3, v1  }
0x56: {  	v3 =	vld [tilespmem:s31+$0x9600]  }
0x57: {  	v1 =	vadd.f32 v60, v1  }
0x58: {  	v61 =	vld [tilespmem:s31+$0x9800]  }
0x59: {  	v1 =	vadd.f32 v2, v1  }
0x5a: {  	v2 =	vld [tilespmem:s31+$0x9A00]  }
0x5b: {  	v1 =	vadd.f32 v3, v1  }
0x5c: {  	v3 =	vld [tilespmem:s31+$0x9C00]  }
0x5d: {  	v1 =	vadd.f32 v61, v1  }
0x5e: {  	v62 =	vld [tilespmem:s31+$0x9E00]  }
0x5f: {  	v1 =	vadd.f32 v2, v1  }
0x60: {  	v2 =	vld [tilespmem:s31+$0xA000]  }
0x61: {  	v1 =	vadd.f32 v3, v1  }
0x62: {  	v3 =	vld [tilespmem:s31+$0xA200]  }
0x63: {  	v1 =	vadd.f32 v62, v1  }
0x64: {  	v63 =	vld [tilespmem:s31+$0xA400]  }
0x65: {  	v1 =	vadd.f32 v2, v1  }
0x66: {  	v2 =	vld [tilespmem:s31+$0xA600]  }
0x67: {  	v1 =	vadd.f32 v3, v1;
	_ =	sdelay $0x1  }
0x68: {  	v1 =	vadd.f32 v63, v1;
	_ =	sdelay $0x1  }
0x69: {  	v1 =	vadd.f32 v2, v1  }
0x6a: {  	s17 =	simm.s32 $0xA800  }
0x6b: {  	s18 =	simm.s32 $0x7410;
	[tilespmem:s17+$0x0] =	vst v1  }
0x6c: {  	s19 =	simm.s32 $0x10;
	s20 =	simm.s32 $0x20;
	v1 =	vld [tilespmem:s18+$0x0]  }
.LBB2_4:
0x6d: {  	p0 =	sne.s32 s20, $0x1F0;
	s21 =	sand.u32 $0x1F0, s19;
	s19 =	smov.u32 s20  }
0x6e: {  	v2 =	vld [tilespmem:s21+$0x7600];
	_ =	sdelay $0x1  }
0x6f: {  	v3 =	vld [tilespmem:s21+$0x7800]  }
0x70: {  	v1 =	vadd.f32 v1, v0  }
0x71: {  	v4 =	vld [tilespmem:s21+$0x7A00]  }
0x72: {  	v1 =	vadd.f32 v2, v1  }
0x73: {  	v2 =	vld [tilespmem:s21+$0x7C00]  }
0x74: {  	v1 =	vadd.f32 v3, v1  }
0x75: {  	v3 =	vld [tilespmem:s21+$0x7E00]  }
0x76: {  	v1 =	vadd.f32 v4, v1  }
0x77: {  	v4 =	vld [tilespmem:s21+$0x8000]  }
0x78: {  	v1 =	vadd.f32 v2, v1  }
0x79: {  	v2 =	vld [tilespmem:s21+$0x8200]  }
0x7a: {  	v1 =	vadd.f32 v3, v1  }
0x7b: {  	v3 =	vld [tilespmem:s21+$0x8400]  }
0x7c: {  	v1 =	vadd.f32 v4, v1  }
0x7d: {  	v4 =	vld [tilespmem:s21+$0x8600]  }
0x7e: {  	v1 =	vadd.f32 v2, v1  }
0x7f: {  	v2 =	vld [tilespmem:s21+$0x8800]  }
0x80: {  	v1 =	vadd.f32 v3, v1  }
0x81: {  	v3 =	vld [tilespmem:s21+$0x8A00]  }
0x82: {  	v1 =	vadd.f32 v4, v1  }
0x83: {  	v4 =	vld [tilespmem:s21+$0x8C00]  }
0x84: {  	v1 =	vadd.f32 v2, v1  }
0x85: {  	v2 =	vld [tilespmem:s21+$0x8E00]  }
0x86: {  	v1 =	vadd.f32 v3, v1  }
0x87: {  	v3 =	vld [tilespmem:s21+$0x9000]  }
0x88: {  	v1 =	vadd.f32 v4, v1  }
0x89: {  	v4 =	vld [tilespmem:s21+$0x9200]  }
0x8a: {  	v1 =	vadd.f32 v2, v1  }
0x8b: {  	v2 =	vld [tilespmem:s21+$0x9400]  }
0x8c: {  	v1 =	vadd.f32 v3, v1  }
0x8d: {  	v3 =	vld [tilespmem:s21+$0x9600]  }
0x8e: {  	v1 =	vadd.f32 v4, v1  }
0x8f: {  	v4 =	vld [tilespmem:s21+$0x9800]  }
0x90: {  	v1 =	vadd.f32 v2, v1  }
0x91: {  	v2 =	vld [tilespmem:s21+$0x9A00]  }
0x92: {  	v1 =	vadd.f32 v3, v1  }
0x93: {  	v3 =	vld [tilespmem:s21+$0x9C00]  }
0x94: {  	v1 =	vadd.f32 v4, v1  }
0x95: {  	v4 =	vld [tilespmem:s21+$0x9E00]  }
0x96: {  	v1 =	vadd.f32 v2, v1  }
0x97: {  	v2 =	vld [tilespmem:s21+$0xA000]  }
0x98: {  	v1 =	vadd.f32 v3, v1  }
0x99: {  	v3 =	vld [tilespmem:s21+$0xA200]  }
0x9a: {  	v1 =	vadd.f32 v4, v1  }
0x9b: {  	v4 =	vld [tilespmem:s21+$0xA400]  }
0x9c: {  	v1 =	vadd.f32 v2, v1  }
0x9d: {  	v2 =	vld [tilespmem:s21+$0xA600]  }
0x9e: {  	v1 =	vadd.f32 v3, v1;
	_ =	sdelay $0x1  }
0x9f: {  	v1 =	vadd.f32 v4, v1  }
.Ltmp1:
0xa0: {  	(pc) =	sbr.rel @p0 .LBB2_4-.Ltmp1, $4  }
0xa1: {  	v1 =	vadd.f32 v2, v1  }
0xa2: {  	s17 =	sadd.s32 $0x10, s17  }
0xa3: {  	s18 =	sadd.s32 $0x10, s18;
	[tilespmem:s17+$0x0] =	vst v1  }
0xa4: {  	s20 =	sadd.s32 $0x10, s20;
	v1 =	vld [tilespmem:s18+$0x0]  }
0xa5: {  	s18 =	sand.u32 $0x1F0, s19  }
0xa6: {  	v2 =	vld [tilespmem:s18+$0x7600];
	_ =	sdelay $0x1  }
0xa7: {  	v3 =	vld [tilespmem:s18+$0x7800]  }
0xa8: {  	v0 =	vadd.f32 v1, v0  }
0xa9: {  	v41 =	vld [tilespmem:s18+$0x7A00]  }
0xaa: {  	v0 =	vadd.f32 v2, v0  }
0xab: {  	v42 =	vld [tilespmem:s18+$0x7C00]  }
0xac: {  	v0 =	vadd.f32 v3, v0  }
0xad: {  	v43 =	vld [tilespmem:s18+$0x7E00]  }
0xae: {  	v0 =	vadd.f32 v41, v0  }
0xaf: {  	v44 =	vld [tilespmem:s18+$0x8000]  }
0xb0: {  	v0 =	vadd.f32 v42, v0  }
0xb1: {  	v45 =	vld [tilespmem:s18+$0x8200]  }
0xb2: {  	v0 =	vadd.f32 v43, v0  }
0xb3: {  	v46 =	vld [tilespmem:s18+$0x8400]  }
0xb4: {  	v0 =	vadd.f32 v44, v0  }
0xb5: {  	v47 =	vld [tilespmem:s18+$0x8600]  }
0xb6: {  	v0 =	vadd.f32 v45, v0  }
0xb7: {  	v48 =	vld [tilespmem:s18+$0x8800]  }
0xb8: {  	v0 =	vadd.f32 v46, v0  }
0xb9: {  	v49 =	vld [tilespmem:s18+$0x8A00]  }
0xba: {  	v0 =	vadd.f32 v47, v0  }
0xbb: {  	v50 =	vld [tilespmem:s18+$0x8C00]  }
0xbc: {  	v0 =	vadd.f32 v48, v0  }
0xbd: {  	v51 =	vld [tilespmem:s18+$0x8E00]  }
0xbe: {  	v0 =	vadd.f32 v49, v0  }
0xbf: {  	v52 =	vld [tilespmem:s18+$0x9000]  }
0xc0: {  	v0 =	vadd.f32 v50, v0  }
0xc1: {  	v53 =	vld [tilespmem:s18+$0x9200]  }
0xc2: {  	v0 =	vadd.f32 v51, v0  }
0xc3: {  	v54 =	vld [tilespmem:s18+$0x9400]  }
0xc4: {  	v0 =	vadd.f32 v52, v0  }
0xc5: {  	v55 =	vld [tilespmem:s18+$0x9600]  }
0xc6: {  	v0 =	vadd.f32 v53, v0  }
0xc7: {  	v56 =	vld [tilespmem:s18+$0x9800]  }
0xc8: {  	v0 =	vadd.f32 v54, v0  }
0xc9: {  	v57 =	vld [tilespmem:s18+$0x9A00]  }
0xca: {  	v0 =	vadd.f32 v55, v0  }
0xcb: {  	v58 =	vld [tilespmem:s18+$0x9C00]  }
0xcc: {  	v0 =	vadd.f32 v56, v0  }
0xcd: {  	v59 =	vld [tilespmem:s18+$0x9E00]  }
0xce: {  	v0 =	vadd.f32 v57, v0  }
0xcf: {  	v60 =	vld [tilespmem:s18+$0xA000]  }
0xd0: {  	v0 =	vadd.f32 v58, v0  }
0xd1: {  	v61 =	vld [tilespmem:s18+$0xA200]  }
0xd2: {  	v0 =	vadd.f32 v59, v0  }
0xd3: {  	v62 =	vld [tilespmem:s18+$0xA400]  }
0xd4: {  	v0 =	vadd.f32 v60, v0  }
0xd5: {  	v63 =	vld [tilespmem:s18+$0xA600]  }
0xd6: {  	v0 =	vadd.f32 v61, v0;
	_ =	sdelay $0x1  }
0xd7: {  	v0 =	vadd.f32 v62, v0;
	_ =	sdelay $0x1  }
0xd8: {  	s16 =	sadd.s32 $0x1, s16;
	v0 =	vadd.f32 v63, v0  }
0xd9: {  	s17 =	sadd.s32 $0x10, s17;
	p0 =	sne.s32 s16, s7  }
.Ltmp2:
0xda: {  	[tilespmem:s17+$0x0] =	vst v0;
	(pc) =	sbr.rel @p0 .LBB2_1-.Ltmp2, $4  }
0xdb: {  	[hbm4b:s6+s4] =	stream.linear.scatter [tilespmem:s15], [sflag:$0x2], $0x200, $0x38;
	[tilespmem:$0xAA80] =	vst v63  }
0xdc: {  	_ =	swait.ge [sflag:s10], $0x200  }
0xdd: {  	[sflag:s10] =	ssyncset.done $0x0  }
0xde: {  	[sflag:s10] =	ssyncadd.s32 $0xFFFFFE00  }
0xdf: {  	_ =	sfence.sel $0x180000  }
0xe0: {  	[bflag:$0x0] =	sbarrier.arrive $0xFFFF  }
0xe1: {  	p0 =	sne.s32 s3, $0x0;
	_ =	strace $0x90000047  }
0xe2: {  	s0 =	sadd.s32 @!p0 $0x100000, s0;
	[bflag:$0x2] =	sbarrier.arrive $0xFFFF  }
0xe3: {  	[sflag:s0] =	ssyncadd.tile.s32 @!p0 $0x1;
	_ =	shalt  }
.Lfunc_end2:
_tile_overlayer_lowered:
.L_overlay_start_2:
0xe4: {  	(tag) =	ssettag $0x2  }
0xe5: {  	s0 =	rddreg [dreg:$0x0];
	s2 =	stileid.u32  }
0xe6: {  	s1 =	rddreg [dreg:$0x1];
	p0 =	sne.s32 s2, $0x0  }
0xe7: {  	s3 =	rddreg [dreg:$0x2];
	[bflag:$0x3] =	sbarrier.arrive $0xFFFF;
	s2 =	simm.s32 @!p0 $0x1C02  }
0xe8: {  	[timem:s3], [sflag:s2] =	dma.local @!p0 [hbm:s0], s1  }
0xe9: {  	s0 =	simm.s32 @!p0 $0x2  }
0xea: {  	_ =	swait.ge @!p0 [sflag:s0], s1  }
0xeb: {  	s1 =	ssub.s32 @!p0 $0x0, s1;
	[sflag:s0] =	ssyncset.done @!p0 $0x0  }
0xec: {  	[sflag:s0] =	ssyncadd.s32 @!p0 s1  }
0xed: {  	[bflag:$0x3] =	sbarrier.arrive $0xFFFF  }
0xee: {  	_ =	shalt  }

</sc_bundles>
